<compile_context>
chip_gen: v7x
topology: tpu7x:2x2x1
jax: 0.10.2.dev20260603
libtpu: 0.0.44.dev20260713+nightly
codegen_flags: <defaults>
</compile_context>

<pallas_src>
import jax
import jax.numpy as jnp
from jax import lax
from jax.experimental import pallas as pl
from jax.experimental.pallas import tpu as pltpu
from jax.experimental.pallas import tpu_sc as plsc

B, L, V = 1024, 50, 1000
_INFO = plsc.get_sparse_core_info()
NC, NS, LANES = _INFO.num_cores, _INFO.num_subcores, _INFO.num_lanes
NW = NC * NS
RPW = B // NW
NG = RPW // LANES


def _sc_body(x_hbm, out_hbm, xv, outv, tb):
    wid = lax.axis_index("s") * NC + lax.axis_index("c")
    base = wid * (RPW * L)
    pltpu.sync_copy(x_hbm.at[pl.ds(base, RPW * L)], xv)

    lane = lax.broadcasted_iota(jnp.int32, (LANES,), 0)
    zeros = jnp.zeros((LANES,), jnp.int32)
    ones = jnp.ones((LANES,), jnp.int32)
    rows_g = [lane + g * LANES for g in range(NG)]

    @plsc.parallel_loop(0, L, unroll=5)
    def _(l):
        for g in range(NG):
            toks = plsc.load_gather(xv, [rows_g[g] * L + l])
            plsc.store_scatter(tb, [rows_g[g] * V + toks], zeros)

    def count_body(l, carry):
        for g in range(NG):
            toks = plsc.load_gather(xv, [rows_g[g] * L + l])
            idx = rows_g[g] * V + toks
            c = plsc.load_gather(tb, [idx]) + ones
            plsc.store_scatter(tb, [idx], c)
            plsc.store_scatter(outv, [rows_g[g] * L + l], c.astype(jnp.float32))
        return carry

    lax.fori_loop(0, L, count_body, 0, unroll=5)

    pltpu.sync_copy(outv, out_hbm.at[pl.ds(base, RPW * L)])


def kernel(x):
    f = pl.kernel(
        _sc_body,
        out_type=jax.ShapeDtypeStruct((B * L,), jnp.float32),
        mesh=plsc.VectorSubcoreMesh(core_axis_name="c", subcore_axis_name="s"),
        compiler_params=pltpu.CompilerParams(
            needs_layout_passes=False,
            disable_bounds_checks=True,
            disable_semaphore_checks=True,
            allow_input_fusion=[True],
        ),
        scratch_types=[
            pltpu.VMEM((RPW * L,), jnp.int32),
            pltpu.VMEM((RPW * L,), jnp.float32),
            pltpu.VMEM((RPW * V,), jnp.int32),
        ],
    )
    out = f(x.astype(jnp.int32).reshape(B * L))
    return out.reshape(B, L, 1)

# --- scband reference (transcript-rebuilt; emitter-appended) ---
"""Pipeline reference for scband-prefix-sum-counts-1125281431611 (READ-ONLY COPY).

The authoritative reference and input builder live on the scoring server;
editing this copy changes nothing except your own understanding.
"""

import jax, jax.numpy as jnp
import numpy as np

D_VOCAB = 1000

def setup_inputs(seed: int = 0) -> dict:
    key = jax.random.key(seed)
    x = jax.random.randint(key, (1024, 50), 0, D_VOCAB, dtype=jnp.int64 if jax.config.jax_enable_x64 else jnp.int32)
    return {"x": x}

def reference(x):
    # one_hot: [B, L, V]
    one_hot = jax.nn.one_hot(x, D_VOCAB, dtype=jnp.float32)
    # prefix sum along sequence dim
    cumsum = jnp.cumsum(one_hot, axis=1)
    # gather the running count of each token at its own position
    idx = x[..., None]  # [B, L, 1]
    counts = jnp.take_along_axis(cumsum, idx, axis=2).astype(jnp.float32)
    return counts

if __name__ == "__main__":
    import jax
    _d = setup_inputs()
    print(jax.jit(kernel)(*tuple(_d.values())))

</pallas_src>

<mosaic_0001>
#map = affine_map<(d0, d1) -> (0)>
module attributes {stable_mosaic.version = 14 : i64} {
  func.func @_sc_body(%arg0: i32, %arg1: i32, %arg2: memref<51200xi32, #tpu.memory_space<hbm>>, %arg3: memref<51200xf32, #tpu.memory_space<hbm>>, %arg4: memref<1600xi32, #tpu.memory_space<vmem>>, %arg5: memref<1600xf32, #tpu.memory_space<vmem>>, %arg6: memref<32000xi32, #tpu.memory_space<vmem>>) attributes {dimension_semantics = [#tpu.dimension_semantics<core_parallel>, #tpu.dimension_semantics<subcore_parallel>], iteration_bounds = array<i64: 2, 16>, scalar_prefetch = 0 : i64, scratch_operands = 3 : i64, tpu.core_type = #tpu.core_type<sc_vector_subcore>, window_params = [{transform_indices = #map}, {transform_indices = #map}]} {
    %mul3A = arith.constant 2 : i32
    %mul3A_0 = arith.muli %arg1, %mul3A : i32
    %add3A = arith.addi %mul3A_0, %arg0 : i32
    %mul3A_1 = arith.constant 1600 : i32
    %mul3A_2 = arith.muli %add3A, %mul3A_1 : i32
    "tpu.region"() ({
      %run_scoped3A = tpu.sem_alloc : memref<!tpu.dma_semaphore, #tpu.memory_space<semaphore_mem>>
      %dma_start3A = tpu.memref_slice %arg2[%mul3A_2] : memref<51200xi32, #tpu.memory_space<hbm>> -> memref<1600xi32, #tpu.memory_space<hbm>>
      %dma_start3A_19 = tpu.memref_slice %arg2[%mul3A_2] : memref<51200xi32, #tpu.memory_space<hbm>> -> memref<1600xi32, #tpu.memory_space<hbm>>
      tpu.enqueue_dma source(%dma_start3A_19 : memref<1600xi32, #tpu.memory_space<hbm>>) target(%arg4 : memref<1600xi32, #tpu.memory_space<vmem>>) target_semaphore(%run_scoped3A : memref<!tpu.dma_semaphore, #tpu.memory_space<semaphore_mem>>)
      %dma_wait3A = tpu.memref_slice %arg2[%mul3A_2] : memref<51200xi32, #tpu.memory_space<hbm>> -> memref<1600xi32, #tpu.memory_space<hbm>>
      %dma_wait3A_20 = tpu.memref_slice %arg2[%mul3A_2] : memref<51200xi32, #tpu.memory_space<hbm>> -> memref<1600xi32, #tpu.memory_space<hbm>>
      tpu.wait_dma2 semaphore(%run_scoped3A : memref<!tpu.dma_semaphore, #tpu.memory_space<semaphore_mem>>) src(%dma_wait3A_20 : memref<1600xi32, #tpu.memory_space<hbm>>) dst(%arg4 : memref<1600xi32, #tpu.memory_space<vmem>>)
      tpu.yield
    }) : () -> ()
    %iota3A = tpu.iota {dimensions = array<i32: 0>} : vector<16xi32>
    %broadcast_in_dim3A = arith.constant 0 : i32
    %broadcast_in_dim3A_3 = vector.broadcast %broadcast_in_dim3A : i32 to vector<16xi32>
    %broadcast_in_dim3A_4 = arith.constant 1 : i32
    %broadcast_in_dim3A_5 = vector.broadcast %broadcast_in_dim3A_4 : i32 to vector<16xi32>
    %add3A_6 = arith.constant 0 : i32
    %add3A_7 = vector.broadcast %add3A_6 : i32 to vector<16xi32>
    %add3A_8 = arith.addi %iota3A, %add3A_7 : vector<16xi32>
    %add3A_9 = arith.constant 16 : i32
    %add3A_10 = vector.broadcast %add3A_9 : i32 to vector<16xi32>
    %add3A_11 = arith.addi %iota3A, %add3A_10 : vector<16xi32>
    %parallel_loop3A = arith.constant 0 : i32
    %parallel_loop3A_12 = arith.constant 50 : i32
    %parallel_loop3A_13 = arith.constant 1 : i32
    scf.for %parallel_loop3A_19 = %parallel_loop3A to %parallel_loop3A_12 step %parallel_loop3A_13  : i32 {
      %parallel_loop3A_20 = arith.constant 50 : i32
      %parallel_loop3A_21 = vector.broadcast %parallel_loop3A_20 : i32 to vector<16xi32>
      %parallel_loop3A_22 = arith.muli %add3A_8, %parallel_loop3A_21 : vector<16xi32>
      %parallel_loop3A_23 = vector.broadcast %parallel_loop3A_19 : i32 to vector<16xi32>
      %parallel_loop3A_24 = arith.addi %parallel_loop3A_22, %parallel_loop3A_23 : vector<16xi32>
      %parallel_loop3A_25 = tpu.vector_load_idx %arg4[%parallel_loop3A_24] : memref<1600xi32, #tpu.memory_space<vmem>>[vector<16xi32>], vector<16xi32>,
      %parallel_loop3A_26 = arith.constant 1000 : i32
      %parallel_loop3A_27 = vector.broadcast %parallel_loop3A_26 : i32 to vector<16xi32>
      %parallel_loop3A_28 = arith.muli %add3A_8, %parallel_loop3A_27 : vector<16xi32>
      %parallel_loop3A_29 = arith.addi %parallel_loop3A_28, %parallel_loop3A_25 : vector<16xi32>
      tpu.vector_store_idx %arg6[%parallel_loop3A_29], %broadcast_in_dim3A_3 : memref<32000xi32, #tpu.memory_space<vmem>>[vector<16xi32>], vector<16xi32>,
      %parallel_loop3A_30 = arith.constant 50 : i32
      %parallel_loop3A_31 = vector.broadcast %parallel_loop3A_30 : i32 to vector<16xi32>
      %parallel_loop3A_32 = arith.muli %add3A_11, %parallel_loop3A_31 : vector<16xi32>
      %parallel_loop3A_33 = vector.broadcast %parallel_loop3A_19 : i32 to vector<16xi32>
      %parallel_loop3A_34 = arith.addi %parallel_loop3A_32, %parallel_loop3A_33 : vector<16xi32>
      %parallel_loop3A_35 = tpu.vector_load_idx %arg4[%parallel_loop3A_34] : memref<1600xi32, #tpu.memory_space<vmem>>[vector<16xi32>], vector<16xi32>,
      %parallel_loop3A_36 = arith.constant 1000 : i32
      %parallel_loop3A_37 = vector.broadcast %parallel_loop3A_36 : i32 to vector<16xi32>
      %parallel_loop3A_38 = arith.muli %add3A_11, %parallel_loop3A_37 : vector<16xi32>
      %parallel_loop3A_39 = arith.addi %parallel_loop3A_38, %parallel_loop3A_35 : vector<16xi32>
      tpu.vector_store_idx %arg6[%parallel_loop3A_39], %broadcast_in_dim3A_3 : memref<32000xi32, #tpu.memory_space<vmem>>[vector<16xi32>], vector<16xi32>,
    } {sc.loop_unroll_factor = 5 : i64, sc.parallel_access}
    %scan3A = arith.constant 0 : i32
    %scan3A_14 = arith.constant 0 : i32
    %scan3A_15 = arith.constant 50 : i32
    %scan3A_16 = arith.addi %scan3A_14, %scan3A_15 : i32
    %scan3A_17 = arith.constant 5 : i32
    scf.for %scan3A_19 = %scan3A_14 to %scan3A_16 step %scan3A_17  : i32 {
      %mul3A_20 = arith.constant 50 : i32
      %mul3A_21 = vector.broadcast %mul3A_20 : i32 to vector<16xi32>
      %mul3A_22 = arith.muli %add3A_8, %mul3A_21 : vector<16xi32>
      %add3A_23 = vector.broadcast %scan3A_19 : i32 to vector<16xi32>
      %add3A_24 = arith.addi %mul3A_22, %add3A_23 : vector<16xi32>
      %gather3A = tpu.vector_load_idx %arg4[%add3A_24] : memref<1600xi32, #tpu.memory_space<vmem>>[vector<16xi32>], vector<16xi32>,
      %mul3A_25 = arith.constant 1000 : i32
      %mul3A_26 = vector.broadcast %mul3A_25 : i32 to vector<16xi32>
      %mul3A_27 = arith.muli %add3A_8, %mul3A_26 : vector<16xi32>
      %add3A_28 = arith.addi %mul3A_27, %gather3A : vector<16xi32>
      %gather3A_29 = tpu.vector_load_idx %arg6[%add3A_28] : memref<32000xi32, #tpu.memory_space<vmem>>[vector<16xi32>], vector<16xi32>,
      %add3A_30 = arith.addi %gather3A_29, %broadcast_in_dim3A_5 : vector<16xi32>
      tpu.vector_store_idx %arg6[%add3A_28], %add3A_30 : memref<32000xi32, #tpu.memory_space<vmem>>[vector<16xi32>], vector<16xi32>,
      %mul3A_31 = arith.constant 50 : i32
      %mul3A_32 = vector.broadcast %mul3A_31 : i32 to vector<16xi32>
      %mul3A_33 = arith.muli %add3A_8, %mul3A_32 : vector<16xi32>
      %add3A_34 = vector.broadcast %scan3A_19 : i32 to vector<16xi32>
      %add3A_35 = arith.addi %mul3A_33, %add3A_34 : vector<16xi32>
      %convert_element_type3A = arith.sitofp %add3A_30 : vector<16xi32> to vector<16xf32>
      tpu.vector_store_idx %arg5[%add3A_35], %convert_element_type3A : memref<1600xf32, #tpu.memory_space<vmem>>[vector<16xi32>], vector<16xf32>,
      %mul3A_36 = arith.constant 50 : i32
      %mul3A_37 = vector.broadcast %mul3A_36 : i32 to vector<16xi32>
      %mul3A_38 = arith.muli %add3A_11, %mul3A_37 : vector<16xi32>
      %add3A_39 = vector.broadcast %scan3A_19 : i32 to vector<16xi32>
      %add3A_40 = arith.addi %mul3A_38, %add3A_39 : vector<16xi32>
      %gather3A_41 = tpu.vector_load_idx %arg4[%add3A_40] : memref<1600xi32, #tpu.memory_space<vmem>>[vector<16xi32>], vector<16xi32>,
      %mul3A_42 = arith.constant 1000 : i32
      %mul3A_43 = vector.broadcast %mul3A_42 : i32 to vector<16xi32>
      %mul3A_44 = arith.muli %add3A_11, %mul3A_43 : vector<16xi32>
      %add3A_45 = arith.addi %mul3A_44, %gather3A_41 : vector<16xi32>
      %gather3A_46 = tpu.vector_load_idx %arg6[%add3A_45] : memref<32000xi32, #tpu.memory_space<vmem>>[vector<16xi32>], vector<16xi32>,
      %add3A_47 = arith.addi %gather3A_46, %broadcast_in_dim3A_5 : vector<16xi32>
      tpu.vector_store_idx %arg6[%add3A_45], %add3A_47 : memref<32000xi32, #tpu.memory_space<vmem>>[vector<16xi32>], vector<16xi32>,
      %mul3A_48 = arith.constant 50 : i32
      %mul3A_49 = vector.broadcast %mul3A_48 : i32 to vector<16xi32>
      %mul3A_50 = arith.muli %add3A_11, %mul3A_49 : vector<16xi32>
      %add3A_51 = vector.broadcast %scan3A_19 : i32 to vector<16xi32>
      %add3A_52 = arith.addi %mul3A_50, %add3A_51 : vector<16xi32>
      %convert_element_type3A_53 = arith.sitofp %add3A_47 : vector<16xi32> to vector<16xf32>
      tpu.vector_store_idx %arg5[%add3A_52], %convert_element_type3A_53 : memref<1600xf32, #tpu.memory_space<vmem>>[vector<16xi32>], vector<16xf32>,
      %scan3A_54 = arith.constant 1 : i32
      %scan3A_55 = arith.addi %scan3A_19, %scan3A_54 : i32
      %mul3A_56 = arith.constant 50 : i32
      %mul3A_57 = vector.broadcast %mul3A_56 : i32 to vector<16xi32>
      %mul3A_58 = arith.muli %add3A_8, %mul3A_57 : vector<16xi32>
      %add3A_59 = vector.broadcast %scan3A_55 : i32 to vector<16xi32>
      %add3A_60 = arith.addi %mul3A_58, %add3A_59 : vector<16xi32>
      %gather3A_61 = tpu.vector_load_idx %arg4[%add3A_60] : memref<1600xi32, #tpu.memory_space<vmem>>[vector<16xi32>], vector<16xi32>,
      %mul3A_62 = arith.constant 1000 : i32
      %mul3A_63 = vector.broadcast %mul3A_62 : i32 to vector<16xi32>
      %mul3A_64 = arith.muli %add3A_8, %mul3A_63 : vector<16xi32>
      %add3A_65 = arith.addi %mul3A_64, %gather3A_61 : vector<16xi32>
      %gather3A_66 = tpu.vector_load_idx %arg6[%add3A_65] : memref<32000xi32, #tpu.memory_space<vmem>>[vector<16xi32>], vector<16xi32>,
      %add3A_67 = arith.addi %gather3A_66, %broadcast_in_dim3A_5 : vector<16xi32>
      tpu.vector_store_idx %arg6[%add3A_65], %add3A_67 : memref<32000xi32, #tpu.memory_space<vmem>>[vector<16xi32>], vector<16xi32>,
      %mul3A_68 = arith.constant 50 : i32
      %mul3A_69 = vector.broadcast %mul3A_68 : i32 to vector<16xi32>
      %mul3A_70 = arith.muli %add3A_8, %mul3A_69 : vector<16xi32>
      %add3A_71 = vector.broadcast %scan3A_55 : i32 to vector<16xi32>
      %add3A_72 = arith.addi %mul3A_70, %add3A_71 : vector<16xi32>
      %convert_element_type3A_73 = arith.sitofp %add3A_67 : vector<16xi32> to vector<16xf32>
      tpu.vector_store_idx %arg5[%add3A_72], %convert_element_type3A_73 : memref<1600xf32, #tpu.memory_space<vmem>>[vector<16xi32>], vector<16xf32>,
      %mul3A_74 = arith.constant 50 : i32
      %mul3A_75 = vector.broadcast %mul3A_74 : i32 to vector<16xi32>
      %mul3A_76 = arith.muli %add3A_11, %mul3A_75 : vector<16xi32>
      %add3A_77 = vector.broadcast %scan3A_55 : i32 to vector<16xi32>
      %add3A_78 = arith.addi %mul3A_76, %add3A_77 : vector<16xi32>
      %gather3A_79 = tpu.vector_load_idx %arg4[%add3A_78] : memref<1600xi32, #tpu.memory_space<vmem>>[vector<16xi32>], vector<16xi32>,
      %mul3A_80 = arith.constant 1000 : i32
      %mul3A_81 = vector.broadcast %mul3A_80 : i32 to vector<16xi32>
      %mul3A_82 = arith.muli %add3A_11, %mul3A_81 : vector<16xi32>
      %add3A_83 = arith.addi %mul3A_82, %gather3A_79 : vector<16xi32>
      %gather3A_84 = tpu.vector_load_idx %arg6[%add3A_83] : memref<32000xi32, #tpu.memory_space<vmem>>[vector<16xi32>], vector<16xi32>,
      %add3A_85 = arith.addi %gather3A_84, %broadcast_in_dim3A_5 : vector<16xi32>
      tpu.vector_store_idx %arg6[%add3A_83], %add3A_85 : memref<32000xi32, #tpu.memory_space<vmem>>[vector<16xi32>], vector<16xi32>,
      %mul3A_86 = arith.constant 50 : i32
      %mul3A_87 = vector.broadcast %mul3A_86 : i32 to vector<16xi32>
      %mul3A_88 = arith.muli %add3A_11, %mul3A_87 : vector<16xi32>
      %add3A_89 = vector.broadcast %scan3A_55 : i32 to vector<16xi32>
      %add3A_90 = arith.addi %mul3A_88, %add3A_89 : vector<16xi32>
      %convert_element_type3A_91 = arith.sitofp %add3A_85 : vector<16xi32> to vector<16xf32>
      tpu.vector_store_idx %arg5[%add3A_90], %convert_element_type3A_91 : memref<1600xf32, #tpu.memory_space<vmem>>[vector<16xi32>], vector<16xf32>,
      %scan3A_92 = arith.constant 2 : i32
      %scan3A_93 = arith.addi %scan3A_19, %scan3A_92 : i32
      %mul3A_94 = arith.constant 50 : i32
      %mul3A_95 = vector.broadcast %mul3A_94 : i32 to vector<16xi32>
      %mul3A_96 = arith.muli %add3A_8, %mul3A_95 : vector<16xi32>
      %add3A_97 = vector.broadcast %scan3A_93 : i32 to vector<16xi32>
      %add3A_98 = arith.addi %mul3A_96, %add3A_97 : vector<16xi32>
      %gather3A_99 = tpu.vector_load_idx %arg4[%add3A_98] : memref<1600xi32, #tpu.memory_space<vmem>>[vector<16xi32>], vector<16xi32>,
      %mul3A_100 = arith.constant 1000 : i32
      %mul3A_101 = vector.broadcast %mul3A_100 : i32 to vector<16xi32>
      %mul3A_102 = arith.muli %add3A_8, %mul3A_101 : vector<16xi32>
      %add3A_103 = arith.addi %mul3A_102, %gather3A_99 : vector<16xi32>
      %gather3A_104 = tpu.vector_load_idx %arg6[%add3A_103] : memref<32000xi32, #tpu.memory_space<vmem>>[vector<16xi32>], vector<16xi32>,
      %add3A_105 = arith.addi %gather3A_104, %broadcast_in_dim3A_5 : vector<16xi32>
      tpu.vector_store_idx %arg6[%add3A_103], %add3A_105 : memref<32000xi32, #tpu.memory_space<vmem>>[vector<16xi32>], vector<16xi32>,
      %mul3A_106 = arith.constant 50 : i32
      %mul3A_107 = vector.broadcast %mul3A_106 : i32 to vector<16xi32>
      %mul3A_108 = arith.muli %add3A_8, %mul3A_107 : vector<16xi32>
      %add3A_109 = vector.broadcast %scan3A_93 : i32 to vector<16xi32>
      %add3A_110 = arith.addi %mul3A_108, %add3A_109 : vector<16xi32>
      %convert_element_type3A_111 = arith.sitofp %add3A_105 : vector<16xi32> to vector<16xf32>
      tpu.vector_store_idx %arg5[%add3A_110], %convert_element_type3A_111 : memref<1600xf32, #tpu.memory_space<vmem>>[vector<16xi32>], vector<16xf32>,
      %mul3A_112 = arith.constant 50 : i32
      %mul3A_113 = vector.broadcast %mul3A_112 : i32 to vector<16xi32>
      %mul3A_114 = arith.muli %add3A_11, %mul3A_113 : vector<16xi32>
      %add3A_115 = vector.broadcast %scan3A_93 : i32 to vector<16xi32>
      %add3A_116 = arith.addi %mul3A_114, %add3A_115 : vector<16xi32>
      %gather3A_117 = tpu.vector_load_idx %arg4[%add3A_116] : memref<1600xi32, #tpu.memory_space<vmem>>[vector<16xi32>], vector<16xi32>,
      %mul3A_118 = arith.constant 1000 : i32
      %mul3A_119 = vector.broadcast %mul3A_118 : i32 to vector<16xi32>
      %mul3A_120 = arith.muli %add3A_11, %mul3A_119 : vector<16xi32>
      %add3A_121 = arith.addi %mul3A_120, %gather3A_117 : vector<16xi32>
      %gather3A_122 = tpu.vector_load_idx %arg6[%add3A_121] : memref<32000xi32, #tpu.memory_space<vmem>>[vector<16xi32>], vector<16xi32>,
      %add3A_123 = arith.addi %gather3A_122, %broadcast_in_dim3A_5 : vector<16xi32>
      tpu.vector_store_idx %arg6[%add3A_121], %add3A_123 : memref<32000xi32, #tpu.memory_space<vmem>>[vector<16xi32>], vector<16xi32>,
      %mul3A_124 = arith.constant 50 : i32
      %mul3A_125 = vector.broadcast %mul3A_124 : i32 to vector<16xi32>
      %mul3A_126 = arith.muli %add3A_11, %mul3A_125 : vector<16xi32>
      %add3A_127 = vector.broadcast %scan3A_93 : i32 to vector<16xi32>
      %add3A_128 = arith.addi %mul3A_126, %add3A_127 : vector<16xi32>
      %convert_element_type3A_129 = arith.sitofp %add3A_123 : vector<16xi32> to vector<16xf32>
      tpu.vector_store_idx %arg5[%add3A_128], %convert_element_type3A_129 : memref<1600xf32, #tpu.memory_space<vmem>>[vector<16xi32>], vector<16xf32>,
      %scan3A_130 = arith.constant 3 : i32
      %scan3A_131 = arith.addi %scan3A_19, %scan3A_130 : i32
      %mul3A_132 = arith.constant 50 : i32
      %mul3A_133 = vector.broadcast %mul3A_132 : i32 to vector<16xi32>
      %mul3A_134 = arith.muli %add3A_8, %mul3A_133 : vector<16xi32>
      %add3A_135 = vector.broadcast %scan3A_131 : i32 to vector<16xi32>
      %add3A_136 = arith.addi %mul3A_134, %add3A_135 : vector<16xi32>
      %gather3A_137 = tpu.vector_load_idx %arg4[%add3A_136] : memref<1600xi32, #tpu.memory_space<vmem>>[vector<16xi32>], vector<16xi32>,
      %mul3A_138 = arith.constant 1000 : i32
      %mul3A_139 = vector.broadcast %mul3A_138 : i32 to vector<16xi32>
      %mul3A_140 = arith.muli %add3A_8, %mul3A_139 : vector<16xi32>
      %add3A_141 = arith.addi %mul3A_140, %gather3A_137 : vector<16xi32>
      %gather3A_142 = tpu.vector_load_idx %arg6[%add3A_141] : memref<32000xi32, #tpu.memory_space<vmem>>[vector<16xi32>], vector<16xi32>,
      %add3A_143 = arith.addi %gather3A_142, %broadcast_in_dim3A_5 : vector<16xi32>
      tpu.vector_store_idx %arg6[%add3A_141], %add3A_143 : memref<32000xi32, #tpu.memory_space<vmem>>[vector<16xi32>], vector<16xi32>,
      %mul3A_144 = arith.constant 50 : i32
      %mul3A_145 = vector.broadcast %mul3A_144 : i32 to vector<16xi32>
      %mul3A_146 = arith.muli %add3A_8, %mul3A_145 : vector<16xi32>
      %add3A_147 = vector.broadcast %scan3A_131 : i32 to vector<16xi32>
      %add3A_148 = arith.addi %mul3A_146, %add3A_147 : vector<16xi32>
      %convert_element_type3A_149 = arith.sitofp %add3A_143 : vector<16xi32> to vector<16xf32>
      tpu.vector_store_idx %arg5[%add3A_148], %convert_element_type3A_149 : memref<1600xf32, #tpu.memory_space<vmem>>[vector<16xi32>], vector<16xf32>,
      %mul3A_150 = arith.constant 50 : i32
      %mul3A_151 = vector.broadcast %mul3A_150 : i32 to vector<16xi32>
      %mul3A_152 = arith.muli %add3A_11, %mul3A_151 : vector<16xi32>
      %add3A_153 = vector.broadcast %scan3A_131 : i32 to vector<16xi32>
      %add3A_154 = arith.addi %mul3A_152, %add3A_153 : vector<16xi32>
      %gather3A_155 = tpu.vector_load_idx %arg4[%add3A_154] : memref<1600xi32, #tpu.memory_space<vmem>>[vector<16xi32>], vector<16xi32>,
      %mul3A_156 = arith.constant 1000 : i32
      %mul3A_157 = vector.broadcast %mul3A_156 : i32 to vector<16xi32>
      %mul3A_158 = arith.muli %add3A_11, %mul3A_157 : vector<16xi32>
      %add3A_159 = arith.addi %mul3A_158, %gather3A_155 : vector<16xi32>
      %gather3A_160 = tpu.vector_load_idx %arg6[%add3A_159] : memref<32000xi32, #tpu.memory_space<vmem>>[vector<16xi32>], vector<16xi32>,
      %add3A_161 = arith.addi %gather3A_160, %broadcast_in_dim3A_5 : vector<16xi32>
      tpu.vector_store_idx %arg6[%add3A_159], %add3A_161 : memref<32000xi32, #tpu.memory_space<vmem>>[vector<16xi32>], vector<16xi32>,
      %mul3A_162 = arith.constant 50 : i32
      %mul3A_163 = vector.broadcast %mul3A_162 : i32 to vector<16xi32>
      %mul3A_164 = arith.muli %add3A_11, %mul3A_163 : vector<16xi32>
      %add3A_165 = vector.broadcast %scan3A_131 : i32 to vector<16xi32>
      %add3A_166 = arith.addi %mul3A_164, %add3A_165 : vector<16xi32>
      %convert_element_type3A_167 = arith.sitofp %add3A_161 : vector<16xi32> to vector<16xf32>
      tpu.vector_store_idx %arg5[%add3A_166], %convert_element_type3A_167 : memref<1600xf32, #tpu.memory_space<vmem>>[vector<16xi32>], vector<16xf32>,
      %scan3A_168 = arith.constant 4 : i32
      %scan3A_169 = arith.addi %scan3A_19, %scan3A_168 : i32
      %mul3A_170 = arith.constant 50 : i32
      %mul3A_171 = vector.broadcast %mul3A_170 : i32 to vector<16xi32>
      %mul3A_172 = arith.muli %add3A_8, %mul3A_171 : vector<16xi32>
      %add3A_173 = vector.broadcast %scan3A_169 : i32 to vector<16xi32>
      %add3A_174 = arith.addi %mul3A_172, %add3A_173 : vector<16xi32>
      %gather3A_175 = tpu.vector_load_idx %arg4[%add3A_174] : memref<1600xi32, #tpu.memory_space<vmem>>[vector<16xi32>], vector<16xi32>,
      %mul3A_176 = arith.constant 1000 : i32
      %mul3A_177 = vector.broadcast %mul3A_176 : i32 to vector<16xi32>
      %mul3A_178 = arith.muli %add3A_8, %mul3A_177 : vector<16xi32>
      %add3A_179 = arith.addi %mul3A_178, %gather3A_175 : vector<16xi32>
      %gather3A_180 = tpu.vector_load_idx %arg6[%add3A_179] : memref<32000xi32, #tpu.memory_space<vmem>>[vector<16xi32>], vector<16xi32>,
      %add3A_181 = arith.addi %gather3A_180, %broadcast_in_dim3A_5 : vector<16xi32>
      tpu.vector_store_idx %arg6[%add3A_179], %add3A_181 : memref<32000xi32, #tpu.memory_space<vmem>>[vector<16xi32>], vector<16xi32>,
      %mul3A_182 = arith.constant 50 : i32
      %mul3A_183 = vector.broadcast %mul3A_182 : i32 to vector<16xi32>
      %mul3A_184 = arith.muli %add3A_8, %mul3A_183 : vector<16xi32>
      %add3A_185 = vector.broadcast %scan3A_169 : i32 to vector<16xi32>
      %add3A_186 = arith.addi %mul3A_184, %add3A_185 : vector<16xi32>
      %convert_element_type3A_187 = arith.sitofp %add3A_181 : vector<16xi32> to vector<16xf32>
      tpu.vector_store_idx %arg5[%add3A_186], %convert_element_type3A_187 : memref<1600xf32, #tpu.memory_space<vmem>>[vector<16xi32>], vector<16xf32>,
      %mul3A_188 = arith.constant 50 : i32
      %mul3A_189 = vector.broadcast %mul3A_188 : i32 to vector<16xi32>
      %mul3A_190 = arith.muli %add3A_11, %mul3A_189 : vector<16xi32>
      %add3A_191 = vector.broadcast %scan3A_169 : i32 to vector<16xi32>
      %add3A_192 = arith.addi %mul3A_190, %add3A_191 : vector<16xi32>
      %gather3A_193 = tpu.vector_load_idx %arg4[%add3A_192] : memref<1600xi32, #tpu.memory_space<vmem>>[vector<16xi32>], vector<16xi32>,
      %mul3A_194 = arith.constant 1000 : i32
      %mul3A_195 = vector.broadcast %mul3A_194 : i32 to vector<16xi32>
      %mul3A_196 = arith.muli %add3A_11, %mul3A_195 : vector<16xi32>
      %add3A_197 = arith.addi %mul3A_196, %gather3A_193 : vector<16xi32>
      %gather3A_198 = tpu.vector_load_idx %arg6[%add3A_197] : memref<32000xi32, #tpu.memory_space<vmem>>[vector<16xi32>], vector<16xi32>,
      %add3A_199 = arith.addi %gather3A_198, %broadcast_in_dim3A_5 : vector<16xi32>
      tpu.vector_store_idx %arg6[%add3A_197], %add3A_199 : memref<32000xi32, #tpu.memory_space<vmem>>[vector<16xi32>], vector<16xi32>,
      %mul3A_200 = arith.constant 50 : i32
      %mul3A_201 = vector.broadcast %mul3A_200 : i32 to vector<16xi32>
      %mul3A_202 = arith.muli %add3A_11, %mul3A_201 : vector<16xi32>
      %add3A_203 = vector.broadcast %scan3A_169 : i32 to vector<16xi32>
      %add3A_204 = arith.addi %mul3A_202, %add3A_203 : vector<16xi32>
      %convert_element_type3A_205 = arith.sitofp %add3A_199 : vector<16xi32> to vector<16xf32>
      tpu.vector_store_idx %arg5[%add3A_204], %convert_element_type3A_205 : memref<1600xf32, #tpu.memory_space<vmem>>[vector<16xi32>], vector<16xf32>,
    }
    %scan3A_18 = arith.constant 50 : i32
    "tpu.region"() ({
      %run_scoped3A = tpu.sem_alloc : memref<!tpu.dma_semaphore, #tpu.memory_space<semaphore_mem>>
      %dma_start3A = tpu.memref_slice %arg3[%mul3A_2] : memref<51200xf32, #tpu.memory_space<hbm>> -> memref<1600xf32, #tpu.memory_space<hbm>>
      %dma_start3A_19 = tpu.memref_slice %arg3[%mul3A_2] : memref<51200xf32, #tpu.memory_space<hbm>> -> memref<1600xf32, #tpu.memory_space<hbm>>
      tpu.enqueue_dma source(%arg5 : memref<1600xf32, #tpu.memory_space<vmem>>) target(%dma_start3A_19 : memref<1600xf32, #tpu.memory_space<hbm>>) target_semaphore(%run_scoped3A : memref<!tpu.dma_semaphore, #tpu.memory_space<semaphore_mem>>)
      %dma_wait3A = tpu.memref_slice %arg3[%mul3A_2] : memref<51200xf32, #tpu.memory_space<hbm>> -> memref<1600xf32, #tpu.memory_space<hbm>>
      %dma_wait3A_20 = tpu.memref_slice %arg3[%mul3A_2] : memref<51200xf32, #tpu.memory_space<hbm>> -> memref<1600xf32, #tpu.memory_space<hbm>>
      tpu.wait_dma2 semaphore(%run_scoped3A : memref<!tpu.dma_semaphore, #tpu.memory_space<semaphore_mem>>) src(%arg5 : memref<1600xf32, #tpu.memory_space<vmem>>) dst(%dma_wait3A_20 : memref<1600xf32, #tpu.memory_space<hbm>>)
      tpu.yield
    }) : () -> ()
    return
  }
}

</mosaic_0001>

<sc_bundles>
// kernel: kernel.3.cloned.1.call-start
scs
__scs_entry_jumppad:
0x0: {  	(pc) =	sbr.rel $0x88, $3  }
0x1: {  	(tag) =	ssettag $0x0;
	lr =	simm.s32 $0x1  }
0x2: {  	[smem:$0x3FA0] =	sst lr;
	_ =	strace $0xD0000000  }
0x3: {  	_ = 	snop  }
0x4: {  	_ = 	snop  }
0x5: {  	_ = 	snop  }
0x6: {  	_ = 	snop  }
0x7: {  	_ = 	snop  }
__scs_overlays_trampoline_lowered:
0x8: {  	[smem:$0x3FAF] =	sst s0  }
0x9: {  	[smem:$0x3FB0] =	sst s1  }
0xa: {  	[smem:$0x3FB1] =	sst s2  }
0xb: {  	[smem:$0x3FB2] =	sst s3  }
0xc: {  	[smem:$0x3FB3] =	sst s4  }
0xd: {  	[smem:$0x3FB4] =	sst s5  }
0xe: {  	[smem:$0x3FB5] =	sst s6  }
0xf: {  	[smem:$0x3FB6] =	sst s7  }
0x10: {  	[smem:$0x3FB7] =	sst s8  }
0x11: {  	[smem:$0x3FB8] =	sst s9;
	s0 =	simm.s32 @!p0 $0x0  }
0x12: {  	s1 =	sld [smem:$0x3F9E];
	s0 =	simm.s32 @p0 $0x1  }
0x13: {  	[smem:$0x3FB9] =	sst s0;
	s0 =	simm.s32 @!p1 $0x0  }
0x14: {  	s2 =	sld [smem:$0x3F9D];
	s0 =	simm.s32 @p1 $0x1  }
0x15: {  	[smem:$0x3FBA] =	sst s0;
	s0 =	simm.s32 @!p2 $0x0  }
0x16: {  	s3 =	sld [smem:$0x3FDB];
	s0 =	simm.s32 @p2 $0x1  }
0x17: {  	s4 =	simm.s32 $0x1BF5;
	[smem:$0x3FBC] =	sst s0  }
0x18: {  	s0 =	sld [smem:$0x3F9F];
	_ =	swait.ge [sflag:s4], $0x0  }
0x19: {  	s7 =	sld [smem:$0x3FA0]  }
0x1a: {  	s8 =	sadd.s32 $0xFFFFE003, lr  }
0x1b: {  	s9 =	sadd.s32 $0xFFFFFEF7, lr;
	s5 =	simm.s32 $0xFFFFFFFF;
	p2 =	slt.u32 s8, $0xFFFFF086  }
0x1c: {  	p1 =	slt.u32 s9, $0xF7A;
	s5 =	simm.s32 @!p2 $0x0  }
0x1d: {  	s5 =	simm.s32 @p1 $0x1;
	p0 =	seq.s32 s7, s2  }
0x1e: {  	s7 =	smul.u32 @!p0 $0xF7A, s2;
	p2 =	seq.s32 @!p0 s5, $0x0  }
0x1f: {  	s9 =	smul.u32 $0xF7A, s1;
	s8 =	simm.s32 @!p0 $0x1BF5;
	p2 =	por !p2, p0  }
0x20: {  	[sflag:s8] =	ssyncset.s32 @!p0 $0xFFFFF086;
	s6 =	sadd.s32 @!p0 s3, s7;
	s7 =	simm.s32 @!p0 $0x108  }
0x21: {  	s3 =	sadd.s32 s3, s9;
	s6 =	sadd.s32 @!p0 $0x88, s6;
	s7 =	simm.s32 @p2 $0x1082  }
0x22: {  	[simem:s7], [sflag:s8] =	dma.local @!p0 [hbm:s6], $0xF7A  }
0x23: {  	s9 =	sor.u32 $0xD0000000, s2;
	s6 =	simm.s32 $0x108;
	_ =	swait.ge @!p0 [sflag:s8], $0x0  }
0x24: {  	s3 =	sadd.s32 $0x88, s3;
	s6 =	simm.s32 @!p1 $0x1082;
	[sflag:s4] =	ssyncset.s32 $0xFFFFF086  }
0x25: {  	[simem:s6], [sflag:s4] =	dma.local [hbm:s3], $0xF7A  }
0x26: {  	[smem:$0x3FA0] =	sst s1;
	(tag) =	ssettag s2;
	_ =	strace s9  }
0x27: {  	s1 =	sld [smem:$0x3FB0]  }
0x28: {  	s2 =	sld [smem:$0x3FB1]  }
0x29: {  	s4 =	sld [smem:$0x3FB3]  }
0x2a: {  	p0 =	seq.s32 s5, $0x0;
	s5 =	sld [smem:$0x3FB4]  }
0x2b: {  	s6 =	sld [smem:$0x3FB5]  }
0x2c: {  	s7 =	sld [smem:$0x3FB6]  }
0x2d: {  	s3 =	simm.s32 $0x108;
	s8 =	sld [smem:$0x3FB7]  }
0x2e: {  	s3 =	simm.s32 @!p0 $0x1082;
	s9 =	sld [smem:$0x3FB8]  }
0x2f: {  	lr =	sadd.s32 s0, s3;
	s0 =	sld [smem:$0x3FAF]  }
0x30: {  	s3 =	sld [smem:$0x3FB2]  }
0x31: {  	[smem:$0x3FBB] =	sst s10  }
0x32: {  	s10 =	sld [smem:$0x3FB9];
	_ =	sdelay $0x3  }
0x33: {  	p0 =	seq.s32 s10, $0x1;
	s10 =	sld [smem:$0x3FBB];
	_ =	sdelay $0x3  }
0x34: {  	[smem:$0x3FBB] =	sst s10  }
0x35: {  	s10 =	sld [smem:$0x3FBA];
	_ =	sdelay $0x3  }
0x36: {  	p1 =	seq.s32 s10, $0x1;
	s10 =	sld [smem:$0x3FBB];
	_ =	sdelay $0x3  }
0x37: {  	[smem:$0x3FBB] =	sst s10  }
0x38: {  	s10 =	sld [smem:$0x3FBC]  }
0x39: {  	_ = 	snop;
	(pc) =	sbr.ind lr, $3  }
0x3a: {  	_ = 	snop  }
0x3b: {  	_ = 	snop  }
0x3c: {  	p2 =	seq.s32 s10, $0x1;
	s10 =	sld [smem:$0x3FBB]  }
0x3d: {  	_ =	shalt  }
0x3e: {  	_ =	shalt  }
0x3f: {  	_ =	shalt  }
0x40: {  	_ =	shalt  }
0x41: {  	_ =	shalt  }
0x42: {  	_ =	shalt  }
0x43: {  	_ =	shalt  }
0x44: {  	_ =	shalt  }
0x45: {  	_ =	shalt  }
0x46: {  	_ =	shalt  }
0x47: {  	_ =	shalt  }
0x48: {  	_ =	shalt  }
0x49: {  	_ =	shalt  }
0x4a: {  	_ =	shalt  }
0x4b: {  	_ =	shalt  }
0x4c: {  	_ =	shalt  }
0x4d: {  	_ =	shalt  }
0x4e: {  	_ =	shalt  }
0x4f: {  	_ =	shalt  }
0x50: {  	_ =	shalt  }
0x51: {  	_ =	shalt  }
0x52: {  	_ =	shalt  }
0x53: {  	_ =	shalt  }
0x54: {  	_ =	shalt  }
0x55: {  	_ =	shalt  }
0x56: {  	_ =	shalt  }
0x57: {  	_ =	shalt  }
0x58: {  	_ =	shalt  }
0x59: {  	_ =	shalt  }
0x5a: {  	_ =	shalt  }
0x5b: {  	_ =	shalt  }
0x5c: {  	_ =	shalt  }
0x5d: {  	_ =	shalt  }
0x5e: {  	_ =	shalt  }
0x5f: {  	_ =	shalt  }
0x60: {  	_ =	shalt  }
0x61: {  	_ =	shalt  }
0x62: {  	_ =	shalt  }
0x63: {  	_ =	shalt  }
0x64: {  	_ =	shalt  }
0x65: {  	_ =	shalt  }
0x66: {  	_ =	shalt  }
0x67: {  	_ =	shalt  }
0x68: {  	_ =	shalt  }
0x69: {  	_ =	shalt  }
0x6a: {  	_ =	shalt  }
0x6b: {  	_ =	shalt  }
0x6c: {  	_ =	shalt  }
0x6d: {  	_ =	shalt  }
0x6e: {  	_ =	shalt  }
0x6f: {  	_ =	shalt  }
0x70: {  	_ =	shalt  }
0x71: {  	_ =	shalt  }
0x72: {  	_ =	shalt  }
0x73: {  	_ =	shalt  }
0x74: {  	_ =	shalt  }
0x75: {  	_ =	shalt  }
0x76: {  	_ =	shalt  }
0x77: {  	_ =	shalt  }
0x78: {  	_ =	shalt  }
0x79: {  	_ =	shalt  }
0x7a: {  	_ =	shalt  }
0x7b: {  	_ =	shalt  }
0x7c: {  	_ =	shalt  }
0x7d: {  	_ =	shalt  }
0x7e: {  	_ =	shalt  }
0x7f: {  	_ =	shalt  }
0x80: {  	_ =	shalt  }
0x81: {  	_ =	shalt  }
0x82: {  	_ =	shalt  }
0x83: {  	_ =	shalt  }
0x84: {  	_ =	shalt  }
0x85: {  	_ =	shalt  }
0x86: {  	_ =	shalt  }
0x87: {  	_ =	shalt  }
.Lfunc_end0:
.L_simem_size_0:
called_computation_lowered:
.L_overlay_start_0:
0x88: {  	s2 =	sld [smem:$0x3FD9]  }
0x89: {  	s3 =	sld [smem:$0x3FFE];
	_ =	sdelay $0x1  }
0x8a: {  	s1 =	srdreg.scid  }
0x8b: {  	s0 =	sand.u32 $0x1, s1  }
0x8c: {  	s17 =	sshll.u32 s0, $0xA;
	s2 =	sadd.s32 s3, s2  }
0x8d: {  	s2 =	sadd.s32 s2, s17  }
0x8e: {  	[smem:$0x3FC7] =	sst s2  }
0x8f: {  	_ = 	snop  }
0x90: {  	s2 =	sld [smem:$0x3FD0];
	(tm) =	ssettm $0x1  }
0x91: {  	s18 =	sld [smem:$0x3FFB];
	_ =	sdelay $0x3  }
0x92: {  	_ =	strace s18  }
0x93: {  	s3 =	sld [smem:$0x3FFC];
	_ =	sdelay $0x3  }
0x94: {  	_ =	strace s3  }
0x95: {  	s3 =	sld [smem:$0x3FFD];
	_ =	sdelay $0x3  }
0x96: {  	_ =	strace s3  }
0x97: {  	_ =	strace $0x8FFFFFFF  }
0x98: {  	s19 =	sld [smem:$0x3FDB];
	_ =	sdelay $0x1  }
0x99: {  	s4 =	simm.s32 $_scs_section_size  }
0x9a: {  	s5 =	simm.s32 $_size__tile_overlayer_lowered;
	s6 =	simm.s32 $_tile_overlayer_lowered  }
0x9b: {  	s22 =	simm.s32 $0x1BFF;
	s21 =	sshll.u32 s6, $0x1;
	s3 =	sadd.s32 s4, s19  }
0x9c: {  	s7 =	simm.s32 $0x0;
	s20 =	sshll.u32 s5, $0x1;
	s5 =	sadd.s32 s21, s3  }
0x9d: {  	[timem:s7], [sflag:s22] =	dma.local [hbm:s5], s20  }
0x9e: {  	_ =	swait.ge [sflag:s22], s20  }
0x9f: {  	s4 =	ssub.s32 $0x0, s20;
	[sflag:s22] =	ssyncset.done $0x0  }
0xa0: {  	[sflag:s22] =	ssyncadd.s32 s4;
	_ =	sdelay $0x1  }
0xa1: {  	s23 =	simm.s32 $0x1B8B  }
0xa2: {  	_ =	swait.ge [sflag:s23], $0x1  }
0xa3: {  	[sflag:s23] =	ssyncset.done $0x0  }
0xa4: {  	s25 =	simm.s32 $0x1B8E;
	s24 =	sld [smem:$0x3FFE];
	[sflag:s23] =	ssyncadd.s32 $0xFFFFFFFF  }
0xa5: {  	s26 =	simm.s32 $execute0_lowered;
	[smem:$0x3FD2] =	sst s25  }
0xa6: {  	s5 =	sshll.u32 s26, $0x1;
	_ =	strace $0x80000046;
	[dreg:$0x1] =	wrdreg $0xFFFFFFFF  }
0xa7: {  	s28 =	simm.s32 $_size_execute0_lowered;
	s3 =	sadd.s32 s3, s5;
	[dreg:$0x0] =	wrdreg $0x0  }
0xa8: {  	s5 =	sshll.u32 s28, $0x1;
	[dreg:$0x2] =	wrdreg s3  }
0xa9: {  	[dreg:$0x3] =	wrdreg s5  }
0xaa: {  	[dreg:$0x4] =	wrdreg $0xC0  }
0xab: {  	_ =	task [dreg:s7], $0x5FFFF  }
0xac: {  	[dreg:$0x1] =	wrdreg $0xFFFFFFFF  }
0xad: {  	[dreg:$0x0] =	wrdreg $0x60  }
0xae: {  	[dreg:$0x2] =	wrdreg s2  }
0xaf: {  	[dreg:$0x3] =	wrdreg s24  }
0xb0: {  	[dreg:$0x4] =	wrdreg $0x9  }
0xb1: {  	_ =	task.clear_ibuf [dreg:s7], $0x5FFFF;
	_ =	strace $0x90000046  }
0xb2: {  	s29 =	simm.s32 $0x9;
	_ =	strace $0x80000048  }
0xb3: {  	_ =	swait.ge [sflag:s29], $0x1  }
0xb4: {  	[sflag:s29] =	ssyncadd.s32 $0xFFFFFFFF  }
0xb5: {  	_ =	strace $0x90000048  }
0xb6: {  	_ =	sfence  }
0xb7: {  	s30 =	sld [smem:$0x0];
	_ =	sdelay $0x2  }
0xb8: {  	s31 =	sshll.u32 s1, $0xD;
	s1 =	sshrl.u32 s1, $0x2  }
0xb9: {  	s3 =	sand.u32 $0x4000, s31;
	s1 =	sadd.s32 s1, s30  }
0xba: {  	s0 =	sor.u32 s3, s0;
	s1 =	sshll.u32 s1, $0x11  }
0xbb: {  	s0 =	sor.u32 s1, s0  }
0xbc: {  	s0 =	sadd.s32 $0x8F2B, s0  }
0xbd: {  	[sflag:s0] =	ssyncadd.remote.s32 $0x1  }
0xbe: {  	_ =	sfence.sel $0xFFFF  }
0xbf: {  	[dreg:$0x0] =	wrdreg $0xFFFFFFFF;
	(pc) =	sbr.abs _section_cstart, $3  }
0xc0: {  	[dreg:$0x1] =	wrdreg $0xFFFFFFFF  }
0xc1: {  	_ =	task.clear_ibuf [dreg:s7], $0x2FFFF;
	_ =	strace $0x9FFFFFFF  }
0xc2: {  	(tm) =	ssettm $0x7FFFFFFF  }
0xc3: {  	_ =	shalt  }
tec
execute0_lowered:
.L_overlay_start_1:
0x0: {  	(tag) =	ssettag $0x1  }
0x1: {  	s3 =	rddreg [dreg:$0x0];
	s1 =	srdreg.scid  }
0x2: {  	s0 =	stileid.u32;
	s4 =	rddreg [dreg:$0x1];
	s2 =	simm.s32 $0x0  }
0x3: {  	s8 =	simm.s32 $0x680;
	s5 =	sand.u32 $0x1, s1;
	s6 =	sshll.u32 s0, $0x1  }
0x4: {  	s9 =	simm.s32 $0x0;
	s6 =	sor.u32 s5, s6;
	s5 =	ssub.s32 $0x2, s5  }
0x5: {  	v1 =	vlaneseq.u32;
	[smem:$0x7FF] =	sst s2;
	s6 =	smul.u32 $0xC8, s6;
	s7 =	sshrl.u32 s5, $0x1  }
0x6: {  	s1 =	rddreg [dreg:$0x2];
	v0 =	vmul.u32 $0x32, v1;
	v1 =	vmul.u32 $0x3E8, v1;
	_ =	strace $0x80000047;
	s5 =	ssub.s32 s5, s7  }
0x7: {  	s7 =	simm.s32 $0xD00;
	s4 =	sadd.s32 s6, s4;
	s3 =	sadd.s32 s3, s6  }
0x8: {  	v2 =	vimm.s32 $0x0;
	v3 =	vadd.s32 $0x320, v0;
	v4 =	vadd.s32 $0x3E80, v1;
	s5 =	smax.u32 s5, $0x1;
	s6 =	simm.s32 $0x1;
	s4 =	sadd.s32 $0x400, s4  }
.LBB2_1:
0x9: {  	s10 =	simm.s32 $0x4  }
0xa: {  	[tilespmem:s2], [sflag:$0x1] =	stream.linear.gather [hbm4b:s3+s2], $0x640, $0x38;
	v5 =	vadd.s32 s10, v0;
	[tilespmem:$0x8A00] =	vst v63  }
0xb: {  	s11 =	simm.s32 $0x1;
	v9 =	vadd.s32 s2, v0  }
0xc: {  	_ =	swait.ge [sflag:s6], $0x640;
	v6 =	vadd.s32 s11, v0  }
0xd: {  	s12 =	simm.s32 $0x2;
	[sflag:s6] =	ssyncset.done $0x0  }
0xe: {  	s13 =	simm.s32 $0x3;
	v7 =	vadd.s32 s12, v0;
	[sflag:s6] =	ssyncadd.s32 $0xFFFFF9C0  }
0xf: {  	v8 =	vadd.s32 s13, v0;
	v5 =	vld.idx.msk [tilespmem:v5+s2+$0x0], $0xffff  }
0x10: {  	s15 =	simm.s32 $0x9;
	v9 =	vld.idx.msk [tilespmem:v9+s2+$0x0], $0xffff  }
0x11: {  	s17 =	simm.s32 $0x6;
	v10 =	vadd.s32 s15, v0;
	v6 =	vld.idx.msk [tilespmem:v6+s2+$0x0], $0xffff  }
0x12: {  	s18 =	simm.s32 $0x7;
	v11 =	vadd.s32 s17, v0  }
0x13: {  	s31 =	simm.s32 $0x8;
	v13 =	vadd.s32 s18, v0;
	v7 =	vld.idx.msk [tilespmem:v7+s2+$0x0], $0xffff  }
0x14: {  	v14 =	vadd.s32 s31, v0;
	v8 =	vld.idx.msk [tilespmem:v8+s2+$0x0], $0xffff;
	v5 =	vadd.s32 v1, v5  }
0x15: {  	s20 =	simm.s32 $0x5;
	v12 =	vadd.s32 s10, v3;
	v9 =	vadd.s32 v1, v9  }
0x16: {  	v15 =	vadd.s32 s20, v0;
	v10 =	vld.idx.msk [tilespmem:v10+s2+$0x0], $0xffff;
	v6 =	vadd.s32 v1, v6  }
0x17: {  	v18 =	vadd.s32 s2, v3;
	v11 =	vld.idx.msk [tilespmem:v11+s2+$0x0], $0xffff  }
0x18: {  	v16 =	vadd.s32 s11, v3;
	v13 =	vld.idx.msk [tilespmem:v13+s2+$0x0], $0xffff;
	v7 =	vadd.s32 v1, v7  }
0x19: {  	v14 =	vld.idx.msk [tilespmem:v14+s2+$0x0], $0xffff;
	[tilespmem:v5+s7+$0x0] =	vst.idx.msk $0xffff, v2;
	v5 =	vadd.s32 v1, v8;
	v8 =	vadd.s32 s12, v3  }
0x1a: {  	v17 =	vadd.s32 s13, v3;
	s13 =	simm.s32 $0xE;
	[tilespmem:v9+s7+$0x0] =	vst.idx.msk $0xffff, v2;
	v12 =	vld.idx.msk [tilespmem:v12+s2+$0x0], $0xffff  }
0x1b: {  	v15 =	vld.idx.msk [tilespmem:v15+s2+$0x0], $0xffff;
	v20 =	vadd.s32 v1, v10;
	[tilespmem:v6+s7+$0x0] =	vst.idx.msk $0xffff, v2;
	v6 =	vadd.s32 s13, v0  }
0x1c: {  	v22 =	vadd.s32 s15, v3;
	s12 =	simm.s32 $0xB;
	v10 =	vld.idx.msk [tilespmem:v18+s2+$0x0], $0xffff  }
0x1d: {  	s14 =	simm.s32 $0xC;
	v27 =	vadd.s32 v1, v13;
	[tilespmem:v7+s7+$0x0] =	vst.idx.msk $0xffff, v2;
	v7 =	vadd.s32 s12, v0;
	v21 =	vld.idx.msk [tilespmem:v16+s2+$0x0], $0xffff  }
0x1e: {  	s15 =	simm.s32 $0xD;
	v9 =	vadd.s32 s14, v0;
	[tilespmem:v5+s7+$0x0] =	vst.idx.msk $0xffff, v2;
	v5 =	vadd.s32 v1, v11;
	v23 =	vld.idx.msk [tilespmem:v8+s2+$0x0], $0xffff  }
0x1f: {  	s16 =	simm.s32 $0xA;
	v26 =	vadd.s32 s15, v0;
	v24 =	vld.idx.msk [tilespmem:v17+s2+$0x0], $0xffff;
	v25 =	vadd.s32 v4, v12  }
0x20: {  	v19 =	vadd.s32 v1, v14;
	[tilespmem:v20+s7+$0x0] =	vst.idx.msk $0xffff, v2;
	v16 =	vadd.s32 s16, v0;
	v11 =	vld.idx.msk [tilespmem:v6+s2+$0x0], $0xffff  }
0x21: {  	v14 =	vadd.s32 s17, v3;
	v8 =	vld.idx.msk [tilespmem:v22+s2+$0x0], $0xffff;
	v17 =	vadd.s32 v1, v15  }
0x22: {  	[tilespmem:v27+s7+$0x0] =	vst.idx.msk $0xffff, v2;
	v7 =	vld.idx.msk [tilespmem:v7+s2+$0x0], $0xffff;
	v12 =	vadd.s32 s18, v3;
	v18 =	vadd.s32 v4, v21  }
0x23: {  	s19 =	simm.s32 $0x14;
	s11 =	simm.s32 $0xF;
	v6 =	vld.idx.msk [tilespmem:v9+s2+$0x0], $0xffff;
	v15 =	vadd.s32 s31, v3;
	[tilespmem:v5+s7+$0x0] =	vst.idx.msk $0xffff, v2;
	v13 =	vadd.s32 v4, v23  }
0x24: {  	s10 =	simm.s32 $0x0;
	s17 =	simm.s32 $0x0;
	v9 =	vld.idx.msk [tilespmem:v26+s2+$0x0], $0xffff;
	s18 =	simm.s32 $0x13;
	v5 =	vadd.s32 s20, v3;
	[tilespmem:v25+s7+$0x0] =	vst.idx.msk $0xffff, v2;
	v20 =	vadd.s32 v4, v24  }
.LBB2_2:
0x25: {  	p0 =	slt.u32 s19, $0x2D;
	s20 =	sadd.s32 $0x1, s11;
	v21 =	vadd.s32 s18, v0;
	v22 =	vld.idx.msk [tilespmem:v16+s10+$0x0], $0xffff;
	[tilespmem:v19+s7+$0x0] =	vst.idx.msk $0xffff, v2;
	v23 =	vadd.s32 v4, v10;
	s21 =	smov.u32 s11  }
0x26: {  	v25 =	vadd.s32 v1, v11;
	s11 =	smov.u32 s19;
	v24 =	vadd.s32 s20, v0;
	[tilespmem:v17+s7+$0x0] =	vst.idx.msk $0xffff, v2;
	v26 =	vld.idx.msk [tilespmem:v14+s17+$0x0], $0xffff  }
0x27: {  	v28 =	vadd.s32 s13, v3;
	s13 =	smov.u32 s18;
	s22 =	sadd.s32 $0x2, s21;
	v27 =	vadd.s32 v1, v7;
	v29 =	vld.idx.msk [tilespmem:v12+s17+$0x0], $0xffff;
	[tilespmem:v18+s7+$0x0] =	vst.idx.msk $0xffff, v2  }
0x28: {  	s18 =	sadd.s32 $0x3, s21;
	v30 =	vadd.s32 s22, v0;
	v32 =	vadd.s32 v4, v8;
	v31 =	vld.idx.msk [tilespmem:v15+s17+$0x0], $0xffff;
	[tilespmem:v13+s7+$0x0] =	vst.idx.msk $0xffff, v2  }
0x29: {  	v33 =	vadd.s32 s18, v0;
	v34 =	vadd.s32 v1, v6;
	v10 =	vld.idx.msk [tilespmem:v5+s17+$0x0], $0xffff;
	[tilespmem:v20+s7+$0x0] =	vst.idx.msk $0xffff, v2;
	s17 =	smov.u32 s10;
	s10 =	simm.s32 $0x0  }
.Ltmp0:
0x2a: {  	v16 =	vadd.s32 s21, v0;
	v19 =	vadd.s32 v1, v9;
	v11 =	vld.idx.msk [tilespmem:v21+s10+$0x0], $0xffff;
	[tilespmem:v23+s7+$0x0] =	vst.idx.msk $0xffff, v2;
	(pc) =	sbr.rel @p0 .LBB2_2-.Ltmp0, $4  }
0x2b: {  	v14 =	vadd.s32 s12, v3;
	s12 =	smov.u32 s20;
	v17 =	vadd.s32 v1, v22;
	v7 =	vld.idx.msk [tilespmem:v24+s10+$0x0], $0xffff;
	[tilespmem:v25+s7+$0x0] =	vst.idx.msk $0xffff, v2  }
0x2c: {  	v12 =	vadd.s32 s14, v3;
	s14 =	smov.u32 s22;
	v18 =	vadd.s32 v4, v26;
	[tilespmem:v27+s7+$0x0] =	vst.idx.msk $0xffff, v2;
	v8 =	vld.idx.msk [tilespmem:v28+s17+$0x0], $0xffff  }
0x2d: {  	v15 =	vadd.s32 s15, v3;
	s15 =	smov.u32 s18;
	v13 =	vadd.s32 v4, v29;
	v6 =	vld.idx.msk [tilespmem:v30+s10+$0x0], $0xffff;
	[tilespmem:v32+s7+$0x0] =	vst.idx.msk $0xffff, v2  }
0x2e: {  	s19 =	sadd.s32 $0x5, s19;
	s18 =	sadd.s32 $0x4, s11;
	v5 =	vadd.s32 s16, v3;
	s16 =	smov.u32 s21;
	v20 =	vadd.s32 v4, v31;
	v9 =	vld.idx.msk [tilespmem:v33+s10+$0x0], $0xffff;
	[tilespmem:v34+s7+$0x0] =	vst.idx.msk $0xffff, v2  }
0x2f: {  	_ =	sdelay $0x3  }
0x30: {  	s19 =	sadd.s32 $0x1, s11;
	v21 =	vadd.s32 s18, v0;
	[tilespmem:v19+s7+$0x0] =	vst.idx.msk $0xffff, v2;
	v10 =	vadd.s32 v4, v10  }
0x31: {  	v16 =	vld.idx.msk [tilespmem:v16+s10+$0x0], $0xffff;
	v11 =	vadd.s32 v1, v11;
	[tilespmem:v17+s7+$0x0] =	vst.idx.msk $0xffff, v2;
	s20 =	sadd.s32 $0x2, s11;
	v39 =	vadd.s32 s19, v0  }
0x32: {  	v14 =	vld.idx.msk [tilespmem:v14+s17+$0x0], $0xffff;
	[tilespmem:v18+s7+$0x0] =	vst.idx.msk $0xffff, v2;
	s21 =	sadd.s32 $0x3, s11;
	v7 =	vadd.s32 v1, v7;
	v40 =	vadd.s32 s20, v0  }
0x33: {  	v12 =	vld.idx.msk [tilespmem:v12+s17+$0x0], $0xffff;
	[tilespmem:v13+s7+$0x0] =	vst.idx.msk $0xffff, v2;
	v41 =	vadd.s32 s21, v0;
	v8 =	vadd.s32 v4, v8  }
0x34: {  	[tilespmem:v20+s7+$0x0] =	vst.idx.msk $0xffff, v2;
	v42 =	vadd.s32 s11, v0;
	v15 =	vld.idx.msk [tilespmem:v15+s17+$0x0], $0xffff;
	v6 =	vadd.s32 v1, v6  }
0x35: {  	v9 =	vadd.s32 v1, v9;
	v43 =	vld.idx.msk [tilespmem:v21+s10+$0x0], $0xffff;
	[tilespmem:v10+s7+$0x0] =	vst.idx.msk $0xffff, v2  }
0x36: {  	v44 =	vadd.s32 s13, v3;
	v16 =	vadd.s32 v1, v16;
	[tilespmem:v11+s7+$0x0] =	vst.idx.msk $0xffff, v2;
	v19 =	vld.idx.msk [tilespmem:v39+s10+$0x0], $0xffff  }
0x37: {  	v45 =	vadd.s32 s12, v3;
	[tilespmem:v7+s7+$0x0] =	vst.idx.msk $0xffff, v2;
	v7 =	vadd.s32 v4, v14;
	v46 =	vld.idx.msk [tilespmem:v40+s10+$0x0], $0xffff  }
0x38: {  	v47 =	vadd.s32 s14, v3;
	v12 =	vadd.s32 v4, v12;
	v48 =	vld.idx.msk [tilespmem:v41+s10+$0x0], $0xffff;
	[tilespmem:v8+s7+$0x0] =	vst.idx.msk $0xffff, v2  }
0x39: {  	v49 =	vadd.s32 s15, v3;
	v50 =	vld.idx.msk [tilespmem:v42+s10+$0x0], $0xffff;
	[tilespmem:v6+s7+$0x0] =	vst.idx.msk $0xffff, v2;
	v6 =	vadd.s32 v4, v15  }
0x3a: {  	v51 =	vadd.s32 s16, v3;
	v5 =	vld.idx.msk [tilespmem:v5+s17+$0x0], $0xffff;
	[tilespmem:v9+s7+$0x0] =	vst.idx.msk $0xffff, v2;
	v52 =	vadd.s32 v1, v43  }
0x3b: {  	v54 =	vadd.s32 s18, v3;
	v10 =	vld.idx.msk [tilespmem:v44+s10+$0x0], $0xffff;
	[tilespmem:v16+s7+$0x0] =	vst.idx.msk $0xffff, v2;
	v53 =	vadd.s32 v1, v19  }
0x3c: {  	v55 =	vadd.s32 s19, v3;
	v11 =	vld.idx.msk [tilespmem:v45+s10+$0x0], $0xffff;
	[tilespmem:v7+s7+$0x0] =	vst.idx.msk $0xffff, v2;
	v7 =	vadd.s32 v1, v46  }
0x3d: {  	v56 =	vadd.s32 s20, v3;
	v17 =	vld.idx.msk [tilespmem:v47+s10+$0x0], $0xffff;
	[tilespmem:v12+s7+$0x0] =	vst.idx.msk $0xffff, v2;
	v8 =	vadd.s32 v1, v48  }
0x3e: {  	v57 =	vadd.s32 s21, v3;
	v13 =	vld.idx.msk [tilespmem:v49+s10+$0x0], $0xffff;
	[tilespmem:v6+s7+$0x0] =	vst.idx.msk $0xffff, v2;
	v6 =	vadd.s32 v1, v50  }
0x3f: {  	v58 =	vadd.s32 s11, v3;
	v5 =	vadd.s32 v4, v5;
	v18 =	vld.idx.msk [tilespmem:v51+s10+$0x0], $0xffff;
	[tilespmem:v52+s7+$0x0] =	vst.idx.msk $0xffff, v2  }
0x40: {  	v10 =	vadd.s32 v4, v10;
	[tilespmem:v53+s7+$0x0] =	vst.idx.msk $0xffff, v2;
	v59 =	vld.idx.msk [tilespmem:v54+s10+$0x0], $0xffff  }
0x41: {  	v11 =	vadd.s32 v4, v11;
	[tilespmem:v7+s7+$0x0] =	vst.idx.msk $0xffff, v2;
	v7 =	vld.idx.msk [tilespmem:v55+s10+$0x0], $0xffff  }
0x42: {  	v60 =	vadd.s32 v4, v17;
	[tilespmem:v8+s7+$0x0] =	vst.idx.msk $0xffff, v2;
	v61 =	vld.idx.msk [tilespmem:v56+s10+$0x0], $0xffff  }
0x43: {  	v62 =	vadd.s32 v4, v13;
	[tilespmem:v6+s7+$0x0] =	vst.idx.msk $0xffff, v2;
	v6 =	vld.idx.msk [tilespmem:v57+s10+$0x0], $0xffff  }
0x44: {  	[tilespmem:v5+s7+$0x0] =	vst.idx.msk $0xffff, v2;
	v5 =	vadd.s32 v4, v18;
	v9 =	vld.idx.msk [tilespmem:v58+s10+$0x0], $0xffff  }
0x45: {  	[tilespmem:v10+s7+$0x0] =	vst.idx.msk $0xffff, v2;
	v63 =	vadd.s32 v4, v59  }
0x46: {  	[tilespmem:v11+s7+$0x0] =	vst.idx.msk $0xffff, v2;
	v7 =	vadd.s32 v4, v7  }
0x47: {  	[tilespmem:v60+s7+$0x0] =	vst.idx.msk $0xffff, v2;
	v8 =	vadd.s32 v4, v61  }
0x48: {  	[tilespmem:v62+s7+$0x0] =	vst.idx.msk $0xffff, v2;
	v6 =	vadd.s32 v4, v6  }
0x49: {  	[tilespmem:v5+s7+$0x0] =	vst.idx.msk $0xffff, v2;
	v5 =	vadd.s32 v4, v9  }
0x4a: {  	[tilespmem:v63+s7+$0x0] =	vst.idx.msk $0xffff, v2  }
0x4b: {  	[tilespmem:v7+s7+$0x0] =	vst.idx.msk $0xffff, v2  }
0x4c: {  	[tilespmem:v8+s7+$0x0] =	vst.idx.msk $0xffff, v2  }
0x4d: {  	[tilespmem:v6+s7+$0x0] =	vst.idx.msk $0xffff, v2  }
0x4e: {  	[tilespmem:v5+s7+$0x0] =	vst.idx.msk $0xffff, v2  }
.LBB2_4:
0x4f: {  	v5 =	vadd.s32 s10, v0;
	_ =	sdelay $0x4  }
0x50: {  	v6 =	vld.idx.msk [tilespmem:v5+s2+$0x0], $0xffff;
	_ =	sdelay $0x4  }
0x51: {  	v6 =	vadd.s32 v1, v6;
	_ =	sdelay $0x4  }
0x52: {  	v7 =	vld.idx.msk [tilespmem:v6+s7+$0x0], $0xffff;
	_ =	sdelay $0x3  }
0x53: {  	v8 =	vadd.s32 s10, v3  }
0x54: {  	v7 =	vadd.s32 $0x1, v7  }
0x55: {  	v9 =	vcvt.s32.f32 v7  }
0x56: {  	[tilespmem:v6+s7+$0x0] =	vst.idx.msk $0xffff, v7  }
0x57: {  	[tilespmem:v5+s8+$0x0] =	vst.idx.msk $0xffff, v9  }
0x58: {  	v5 =	vld.idx.msk [tilespmem:v8+s2+$0x0], $0xffff;
	_ =	sdelay $0x4  }
0x59: {  	v5 =	vadd.s32 v4, v5;
	_ =	sdelay $0x4  }
0x5a: {  	v6 =	vld.idx.msk [tilespmem:v5+s7+$0x0], $0xffff;
	_ =	sdelay $0x2  }
0x5b: {  	s11 =	sadd.s32 $0x1, s10  }
0x5c: {  	v7 =	vadd.s32 s11, v0  }
0x5d: {  	v6 =	vadd.s32 $0x1, v6  }
0x5e: {  	v52 =	vcvt.s32.f32 v6  }
0x5f: {  	[tilespmem:v5+s7+$0x0] =	vst.idx.msk $0xffff, v6  }
0x60: {  	[tilespmem:v8+s8+$0x0] =	vst.idx.msk $0xffff, v52  }
0x61: {  	v5 =	vld.idx.msk [tilespmem:v7+s2+$0x0], $0xffff;
	_ =	sdelay $0x4  }
0x62: {  	v5 =	vadd.s32 v1, v5;
	_ =	sdelay $0x4  }
0x63: {  	v6 =	vld.idx.msk [tilespmem:v5+s7+$0x0], $0xffff;
	_ =	sdelay $0x3  }
0x64: {  	v53 =	vadd.s32 s11, v3  }
0x65: {  	v6 =	vadd.s32 $0x1, v6  }
0x66: {  	v54 =	vcvt.s32.f32 v6  }
0x67: {  	[tilespmem:v5+s7+$0x0] =	vst.idx.msk $0xffff, v6  }
0x68: {  	[tilespmem:v7+s8+$0x0] =	vst.idx.msk $0xffff, v54  }
0x69: {  	v5 =	vld.idx.msk [tilespmem:v53+s2+$0x0], $0xffff;
	_ =	sdelay $0x4  }
0x6a: {  	v5 =	vadd.s32 v4, v5;
	_ =	sdelay $0x4  }
0x6b: {  	v6 =	vld.idx.msk [tilespmem:v5+s7+$0x0], $0xffff;
	_ =	sdelay $0x2  }
0x6c: {  	s29 =	sadd.s32 $0x2, s10  }
0x6d: {  	v7 =	vadd.s32 s29, v0  }
0x6e: {  	v6 =	vadd.s32 $0x1, v6  }
0x6f: {  	v55 =	vcvt.s32.f32 v6  }
0x70: {  	[tilespmem:v5+s7+$0x0] =	vst.idx.msk $0xffff, v6  }
0x71: {  	[tilespmem:v53+s8+$0x0] =	vst.idx.msk $0xffff, v55  }
0x72: {  	v5 =	vld.idx.msk [tilespmem:v7+s2+$0x0], $0xffff;
	_ =	sdelay $0x4  }
0x73: {  	v5 =	vadd.s32 v1, v5;
	_ =	sdelay $0x4  }
0x74: {  	v6 =	vld.idx.msk [tilespmem:v5+s7+$0x0], $0xffff;
	_ =	sdelay $0x3  }
0x75: {  	v56 =	vadd.s32 s29, v3  }
0x76: {  	v6 =	vadd.s32 $0x1, v6  }
0x77: {  	v57 =	vcvt.s32.f32 v6  }
0x78: {  	[tilespmem:v5+s7+$0x0] =	vst.idx.msk $0xffff, v6  }
0x79: {  	[tilespmem:v7+s8+$0x0] =	vst.idx.msk $0xffff, v57  }
0x7a: {  	v5 =	vld.idx.msk [tilespmem:v56+s2+$0x0], $0xffff;
	_ =	sdelay $0x4  }
0x7b: {  	v5 =	vadd.s32 v4, v5;
	_ =	sdelay $0x4  }
0x7c: {  	v6 =	vld.idx.msk [tilespmem:v5+s7+$0x0], $0xffff;
	_ =	sdelay $0x2  }
0x7d: {  	s30 =	sadd.s32 $0x3, s10  }
0x7e: {  	v7 =	vadd.s32 s30, v0  }
0x7f: {  	v6 =	vadd.s32 $0x1, v6  }
0x80: {  	v58 =	vcvt.s32.f32 v6  }
0x81: {  	[tilespmem:v5+s7+$0x0] =	vst.idx.msk $0xffff, v6  }
0x82: {  	[tilespmem:v56+s8+$0x0] =	vst.idx.msk $0xffff, v58  }
0x83: {  	v5 =	vld.idx.msk [tilespmem:v7+s2+$0x0], $0xffff;
	_ =	sdelay $0x4  }
0x84: {  	v5 =	vadd.s32 v1, v5;
	_ =	sdelay $0x4  }
0x85: {  	v6 =	vld.idx.msk [tilespmem:v5+s7+$0x0], $0xffff;
	_ =	sdelay $0x3  }
0x86: {  	v59 =	vadd.s32 s30, v3  }
0x87: {  	v6 =	vadd.s32 $0x1, v6  }
0x88: {  	v60 =	vcvt.s32.f32 v6  }
0x89: {  	[tilespmem:v5+s7+$0x0] =	vst.idx.msk $0xffff, v6  }
0x8a: {  	[tilespmem:v7+s8+$0x0] =	vst.idx.msk $0xffff, v60  }
0x8b: {  	v5 =	vld.idx.msk [tilespmem:v59+s2+$0x0], $0xffff;
	_ =	sdelay $0x4  }
0x8c: {  	v5 =	vadd.s32 v4, v5;
	_ =	sdelay $0x4  }
0x8d: {  	v6 =	vld.idx.msk [tilespmem:v5+s7+$0x0], $0xffff;
	_ =	sdelay $0x2  }
0x8e: {  	s31 =	sadd.s32 $0x4, s10  }
0x8f: {  	v7 =	vadd.s32 s31, v0  }
0x90: {  	v6 =	vadd.s32 $0x1, v6  }
0x91: {  	v61 =	vcvt.s32.f32 v6  }
0x92: {  	[tilespmem:v5+s7+$0x0] =	vst.idx.msk $0xffff, v6  }
0x93: {  	[tilespmem:v59+s8+$0x0] =	vst.idx.msk $0xffff, v61  }
0x94: {  	v5 =	vld.idx.msk [tilespmem:v7+s2+$0x0], $0xffff;
	_ =	sdelay $0x4  }
0x95: {  	v5 =	vadd.s32 v1, v5;
	_ =	sdelay $0x4  }
0x96: {  	v6 =	vld.idx.msk [tilespmem:v5+s7+$0x0], $0xffff;
	_ =	sdelay $0x3  }
0x97: {  	v62 =	vadd.s32 s31, v3  }
0x98: {  	v6 =	vadd.s32 $0x1, v6  }
0x99: {  	v63 =	vcvt.s32.f32 v6  }
0x9a: {  	[tilespmem:v5+s7+$0x0] =	vst.idx.msk $0xffff, v6  }
0x9b: {  	[tilespmem:v7+s8+$0x0] =	vst.idx.msk $0xffff, v63  }
0x9c: {  	v5 =	vld.idx.msk [tilespmem:v62+s2+$0x0], $0xffff;
	_ =	sdelay $0x4  }
0x9d: {  	v5 =	vadd.s32 v4, v5;
	_ =	sdelay $0x4  }
0x9e: {  	v6 =	vld.idx.msk [tilespmem:v5+s7+$0x0], $0xffff;
	_ =	sdelay $0x2  }
0x9f: {  	p0 =	slt.u32 s10, $0x2D  }
.Ltmp1:
0xa0: {  	_ = 	snop;
	(pc) =	sbr.rel @p0 .LBB2_4-.Ltmp1, $4  }
0xa1: {  	v6 =	vadd.s32 $0x1, v6  }
0xa2: {  	v7 =	vcvt.s32.f32 v6  }
0xa3: {  	[tilespmem:v5+s7+$0x0] =	vst.idx.msk $0xffff, v6  }
0xa4: {  	s10 =	sadd.s32 $0x5, s10;
	[tilespmem:v62+s8+$0x0] =	vst.idx.msk $0xffff, v7  }
0xa5: {  	s9 =	sadd.s32 $0x1, s9  }
0xa6: {  	p0 =	sne.s32 s9, s5  }
.Ltmp2:
0xa7: {  	_ = 	snop;
	(pc) =	sbr.rel @p0 .LBB2_1-.Ltmp2, $4  }
0xa8: {  	[hbm4b:s4+s2] =	stream.linear.scatter [tilespmem:s8], [sflag:$0x1], $0x640, $0x38;
	[tilespmem:$0x8A00] =	vst v63  }
0xa9: {  	_ =	swait.ge [sflag:s6], $0x640  }
0xaa: {  	[sflag:s6] =	ssyncset.done $0x0  }
0xab: {  	[sflag:s6] =	ssyncadd.s32 $0xFFFFF9C0  }
0xac: {  	_ =	sfence.sel $0x180000  }
0xad: {  	[bflag:$0x0] =	sbarrier.arrive $0xFFFF  }
0xae: {  	p0 =	sne.s32 s0, $0x0;
	_ =	strace $0x90000047  }
0xaf: {  	s0 =	sadd.s32 @!p0 $0x100000, s1;
	[bflag:$0x2] =	sbarrier.arrive $0xFFFF  }
0xb0: {  	[sflag:s0] =	ssyncadd.tile.s32 @!p0 $0x1;
	_ =	shalt  }
.Lfunc_end2:
_tile_overlayer_lowered:
.L_overlay_start_2:
0xb1: {  	(tag) =	ssettag $0x2  }
0xb2: {  	s0 =	rddreg [dreg:$0x0];
	s2 =	stileid.u32  }
0xb3: {  	s1 =	rddreg [dreg:$0x1];
	p0 =	sne.s32 s2, $0x0  }
0xb4: {  	s3 =	rddreg [dreg:$0x2];
	[bflag:$0x3] =	sbarrier.arrive $0xFFFF;
	s2 =	simm.s32 @!p0 $0x1C01  }
0xb5: {  	[timem:s3], [sflag:s2] =	dma.local @!p0 [hbm:s0], s1  }
0xb6: {  	s0 =	simm.s32 @!p0 $0x1  }
0xb7: {  	_ =	swait.ge @!p0 [sflag:s0], s1  }
0xb8: {  	s1 =	ssub.s32 @!p0 $0x0, s1;
	[sflag:s0] =	ssyncset.done @!p0 $0x0  }
0xb9: {  	[sflag:s0] =	ssyncadd.s32 @!p0 s1  }
0xba: {  	[bflag:$0x3] =	sbarrier.arrive $0xFFFF  }
0xbb: {  	_ =	shalt  }

</sc_bundles>
